<compile_context>
chip_gen: v7x
topology: tpu7x:2x2x1
jax: 0.10.2.dev20260603
libtpu: 0.0.44.dev20260713+nightly
codegen_flags: <defaults>
</compile_context>

<pallas_src>
import jax
import jax.numpy as jnp
from jax import lax
from jax.experimental import pallas as pl
from jax.experimental.pallas import tpu as pltpu
from jax.experimental.pallas import tpu_sc as plsc


def kernel(features, labels, features_memory, labels_memory):
    batch = features.shape[0]
    dim = features_memory.shape[1]

    fmT = jnp.transpose(features_memory)
    lmT = jnp.transpose(labels_memory)

    mesh = plsc.VectorSubcoreMesh(core_axis_name="c", subcore_axis_name="s")
    num_workers = mesh.num_cores * mesh.num_subcores
    cols = batch // num_workers

    @pl.kernel(
        out_type=(
            jax.ShapeDtypeStruct((dim, batch), features_memory.dtype),
            jax.ShapeDtypeStruct((1, batch), labels_memory.dtype),
        ),
        mesh=mesh,
        scratch_types=[
            pltpu.VMEM((dim, cols), features_memory.dtype),
            pltpu.VMEM((1, cols), labels_memory.dtype),
            pltpu.SemaphoreType.DMA,
            pltpu.SemaphoreType.DMA,
        ],
    )
    def gather_occupied(fm_hbm, lm_hbm, fo_hbm, lo_hbm, fbuf, lbuf, sem_f, sem_l):
        c = lax.axis_index("c")
        s = lax.axis_index("s")
        wid = c * mesh.num_subcores + s
        start = wid * cols
        gf = pltpu.async_copy(fm_hbm.at[:, pl.ds(start, cols)], fbuf, sem_f)
        gl = pltpu.async_copy(lm_hbm.at[:, pl.ds(start, cols)], lbuf, sem_l)
        gf.wait()
        gl.wait()
        of = pltpu.async_copy(fbuf, fo_hbm.at[:, pl.ds(start, cols)], sem_f)
        ol = pltpu.async_copy(lbuf, lo_hbm.at[:, pl.ds(start, cols)], sem_l)
        of.wait()
        ol.wait()

    foT, loT = gather_occupied(fmT, lmT)
    return jnp.transpose(foT), jnp.transpose(loT)

# --- scband reference (transcript-rebuilt; emitter-appended) ---
"""Pipeline reference for scband-xbm-19988777796278 (READ-ONLY COPY).

The authoritative reference and input builder live on the scoring server;
editing this copy changes nothing except your own understanding.
"""

import jax, jax.numpy as jnp
import numpy as np

MEM_ROWS = 1000000
DIM = 64
BATCH = 16384

def setup_inputs(seed: int = 0) -> dict:
    key = jax.random.key(seed)
    k1, k2 = jax.random.split(key)
    features = jax.random.normal(k1, (BATCH, DIM), dtype=jnp.float32)
    labels = jax.random.normal(k2, (BATCH,), dtype=jnp.float32)
    # Parameters materialized per init_kwargs (size=[1000000, 64]); XBM initializes both to zeros.
    features_memory = jnp.zeros((MEM_ROWS, DIM), dtype=jnp.float32)
    labels_memory = jnp.zeros((MEM_ROWS, 1), dtype=jnp.float32)
    return {"features": features, "labels": labels, "features_memory": features_memory, "labels_memory": labels_memory}

def reference(features, labels, features_memory, labels_memory):
    # XBM with unique=False, single forward call from fresh state:
    # add_without_keys: index deque is empty, len(index)+bs < size[0], so
    # available = sorted(set(range(M)) - set([])) -> [0..M-1] (CPython small-int
    # set iteration is in sorted order), index.extend(available[:bs]) -> [0..bs-1].
    # Note: the non-unique path never writes features into the memory bank;
    # get_occupied_storage gathers the (zero-initialized) memory rows.
    bs = features.shape[0]
    occupied = jnp.arange(bs, dtype=jnp.int32)
    feats_out = jnp.take(features_memory, occupied, axis=0)
    labels_out = jnp.take(labels_memory, occupied, axis=0)
    return (feats_out, labels_out)

if __name__ == "__main__":
    import jax
    _d = setup_inputs()
    print(jax.jit(kernel)(*tuple(_d.values())))

</pallas_src>

<mosaic_0001>
#map = affine_map<(d0, d1) -> (0, 0)>
module attributes {stable_mosaic.version = 14 : i64} {
  func.func @gather_occupied(%arg0: i32, %arg1: i32, %arg2: memref<64x1000000xf32, #tpu.memory_space<hbm>>, %arg3: memref<1x1000000xf32, #tpu.memory_space<hbm>>, %arg4: memref<64x16384xf32, #tpu.memory_space<hbm>>, %arg5: memref<1x16384xf32, #tpu.memory_space<hbm>>, %arg6: memref<64x512xf32, #tpu.memory_space<vmem>>, %arg7: memref<1x512xf32, #tpu.memory_space<vmem>>, %arg8: memref<!tpu.dma_semaphore, #tpu.memory_space<semaphore_mem>>, %arg9: memref<!tpu.dma_semaphore, #tpu.memory_space<semaphore_mem>>) attributes {dimension_semantics = [#tpu.dimension_semantics<core_parallel>, #tpu.dimension_semantics<subcore_parallel>], iteration_bounds = array<i64: 2, 16>, scalar_prefetch = 0 : i64, scratch_operands = 4 : i64, tpu.core_type = #tpu.core_type<sc_vector_subcore>, window_params = [{transform_indices = #map}, {transform_indices = #map}, {transform_indices = #map}, {transform_indices = #map}]} {
    %mul3A = arith.constant 16 : i32
    %mul3A_0 = arith.muli %arg0, %mul3A : i32
    %add3A = arith.addi %mul3A_0, %arg1 : i32
    %mul3A_1 = arith.constant 512 : i32
    %mul3A_2 = arith.muli %add3A, %mul3A_1 : i32
    %dma_start3A = arith.constant 0 : i32
    %dma_start3A_3 = tpu.memref_slice %arg2[%dma_start3A, %mul3A_2] : memref<64x1000000xf32, #tpu.memory_space<hbm>> -> memref<64x512xf32, #tpu.memory_space<hbm>>
    %dma_start3A_4 = arith.constant 0 : i32
    %dma_start3A_5 = tpu.memref_slice %arg2[%dma_start3A_4, %mul3A_2] : memref<64x1000000xf32, #tpu.memory_space<hbm>> -> memref<64x512xf32, #tpu.memory_space<hbm>>
    tpu.enqueue_dma source(%dma_start3A_5 : memref<64x512xf32, #tpu.memory_space<hbm>>) target(%arg6 : memref<64x512xf32, #tpu.memory_space<vmem>>) target_semaphore(%arg8 : memref<!tpu.dma_semaphore, #tpu.memory_space<semaphore_mem>>)
    %dma_start3A_6 = arith.constant 0 : i32
    %dma_start3A_7 = tpu.memref_slice %arg3[%dma_start3A_6, %mul3A_2] : memref<1x1000000xf32, #tpu.memory_space<hbm>> -> memref<1x512xf32, #tpu.memory_space<hbm>>
    %dma_start3A_8 = arith.constant 0 : i32
    %dma_start3A_9 = tpu.memref_slice %arg3[%dma_start3A_8, %mul3A_2] : memref<1x1000000xf32, #tpu.memory_space<hbm>> -> memref<1x512xf32, #tpu.memory_space<hbm>>
    tpu.enqueue_dma source(%dma_start3A_9 : memref<1x512xf32, #tpu.memory_space<hbm>>) target(%arg7 : memref<1x512xf32, #tpu.memory_space<vmem>>) target_semaphore(%arg9 : memref<!tpu.dma_semaphore, #tpu.memory_space<semaphore_mem>>)
    %dma_wait3A = arith.constant 0 : i32
    %dma_wait3A_10 = tpu.memref_slice %arg2[%dma_wait3A, %mul3A_2] : memref<64x1000000xf32, #tpu.memory_space<hbm>> -> memref<64x512xf32, #tpu.memory_space<hbm>>
    %dma_wait3A_11 = arith.constant 0 : i32
    %dma_wait3A_12 = tpu.memref_slice %arg2[%dma_wait3A_11, %mul3A_2] : memref<64x1000000xf32, #tpu.memory_space<hbm>> -> memref<64x512xf32, #tpu.memory_space<hbm>>
    tpu.wait_dma2 semaphore(%arg8 : memref<!tpu.dma_semaphore, #tpu.memory_space<semaphore_mem>>) src(%dma_wait3A_12 : memref<64x512xf32, #tpu.memory_space<hbm>>) dst(%arg6 : memref<64x512xf32, #tpu.memory_space<vmem>>)
    %dma_wait3A_13 = arith.constant 0 : i32
    %dma_wait3A_14 = tpu.memref_slice %arg3[%dma_wait3A_13, %mul3A_2] : memref<1x1000000xf32, #tpu.memory_space<hbm>> -> memref<1x512xf32, #tpu.memory_space<hbm>>
    %dma_wait3A_15 = arith.constant 0 : i32
    %dma_wait3A_16 = tpu.memref_slice %arg3[%dma_wait3A_15, %mul3A_2] : memref<1x1000000xf32, #tpu.memory_space<hbm>> -> memref<1x512xf32, #tpu.memory_space<hbm>>
    tpu.wait_dma2 semaphore(%arg9 : memref<!tpu.dma_semaphore, #tpu.memory_space<semaphore_mem>>) src(%dma_wait3A_16 : memref<1x512xf32, #tpu.memory_space<hbm>>) dst(%arg7 : memref<1x512xf32, #tpu.memory_space<vmem>>)
    %dma_start3A_17 = arith.constant 0 : i32
    %dma_start3A_18 = tpu.memref_slice %arg4[%dma_start3A_17, %mul3A_2] : memref<64x16384xf32, #tpu.memory_space<hbm>> -> memref<64x512xf32, #tpu.memory_space<hbm>>
    %dma_start3A_19 = arith.constant 0 : i32
    %dma_start3A_20 = tpu.memref_slice %arg4[%dma_start3A_19, %mul3A_2] : memref<64x16384xf32, #tpu.memory_space<hbm>> -> memref<64x512xf32, #tpu.memory_space<hbm>>
    tpu.enqueue_dma source(%arg6 : memref<64x512xf32, #tpu.memory_space<vmem>>) target(%dma_start3A_20 : memref<64x512xf32, #tpu.memory_space<hbm>>) target_semaphore(%arg8 : memref<!tpu.dma_semaphore, #tpu.memory_space<semaphore_mem>>)
    %dma_start3A_21 = arith.constant 0 : i32
    %dma_start3A_22 = tpu.memref_slice %arg5[%dma_start3A_21, %mul3A_2] : memref<1x16384xf32, #tpu.memory_space<hbm>> -> memref<1x512xf32, #tpu.memory_space<hbm>>
    %dma_start3A_23 = arith.constant 0 : i32
    %dma_start3A_24 = tpu.memref_slice %arg5[%dma_start3A_23, %mul3A_2] : memref<1x16384xf32, #tpu.memory_space<hbm>> -> memref<1x512xf32, #tpu.memory_space<hbm>>
    tpu.enqueue_dma source(%arg7 : memref<1x512xf32, #tpu.memory_space<vmem>>) target(%dma_start3A_24 : memref<1x512xf32, #tpu.memory_space<hbm>>) target_semaphore(%arg9 : memref<!tpu.dma_semaphore, #tpu.memory_space<semaphore_mem>>)
    %dma_wait3A_25 = arith.constant 0 : i32
    %dma_wait3A_26 = tpu.memref_slice %arg4[%dma_wait3A_25, %mul3A_2] : memref<64x16384xf32, #tpu.memory_space<hbm>> -> memref<64x512xf32, #tpu.memory_space<hbm>>
    %dma_wait3A_27 = arith.constant 0 : i32
    %dma_wait3A_28 = tpu.memref_slice %arg4[%dma_wait3A_27, %mul3A_2] : memref<64x16384xf32, #tpu.memory_space<hbm>> -> memref<64x512xf32, #tpu.memory_space<hbm>>
    tpu.wait_dma2 semaphore(%arg8 : memref<!tpu.dma_semaphore, #tpu.memory_space<semaphore_mem>>) src(%arg6 : memref<64x512xf32, #tpu.memory_space<vmem>>) dst(%dma_wait3A_28 : memref<64x512xf32, #tpu.memory_space<hbm>>)
    %dma_wait3A_29 = arith.constant 0 : i32
    %dma_wait3A_30 = tpu.memref_slice %arg5[%dma_wait3A_29, %mul3A_2] : memref<1x16384xf32, #tpu.memory_space<hbm>> -> memref<1x512xf32, #tpu.memory_space<hbm>>
    %dma_wait3A_31 = arith.constant 0 : i32
    %dma_wait3A_32 = tpu.memref_slice %arg5[%dma_wait3A_31, %mul3A_2] : memref<1x16384xf32, #tpu.memory_space<hbm>> -> memref<1x512xf32, #tpu.memory_space<hbm>>
    tpu.wait_dma2 semaphore(%arg9 : memref<!tpu.dma_semaphore, #tpu.memory_space<semaphore_mem>>) src(%arg7 : memref<1x512xf32, #tpu.memory_space<vmem>>) dst(%dma_wait3A_32 : memref<1x512xf32, #tpu.memory_space<hbm>>)
    return
  }
}

</mosaic_0001>

<sc_bundles>
// kernel: kernel.3.cloned.1.call-start
scs
__scs_entry_jumppad:
0x0: {  	(pc) =	sbr.rel $0x88, $3  }
0x1: {  	(tag) =	ssettag $0x0;
	lr =	simm.s32 $0x1  }
0x2: {  	[smem:$0x3F9F] =	sst lr;
	_ =	strace $0xD0000000  }
0x3: {  	_ = 	snop  }
0x4: {  	_ = 	snop  }
0x5: {  	_ = 	snop  }
0x6: {  	_ = 	snop  }
0x7: {  	_ = 	snop  }
__scs_overlays_trampoline_lowered:
0x8: {  	[smem:$0x3FAE] =	sst s0  }
0x9: {  	[smem:$0x3FAF] =	sst s1  }
0xa: {  	[smem:$0x3FB0] =	sst s2  }
0xb: {  	[smem:$0x3FB1] =	sst s3  }
0xc: {  	[smem:$0x3FB2] =	sst s4  }
0xd: {  	[smem:$0x3FB3] =	sst s5  }
0xe: {  	[smem:$0x3FB4] =	sst s6  }
0xf: {  	[smem:$0x3FB5] =	sst s7  }
0x10: {  	[smem:$0x3FB6] =	sst s8  }
0x11: {  	[smem:$0x3FB7] =	sst s9;
	s0 =	simm.s32 @!p0 $0x0  }
0x12: {  	s1 =	sld [smem:$0x3F9D];
	s0 =	simm.s32 @p0 $0x1  }
0x13: {  	[smem:$0x3FB8] =	sst s0;
	s0 =	simm.s32 @!p1 $0x0  }
0x14: {  	s2 =	sld [smem:$0x3F9C];
	s0 =	simm.s32 @p1 $0x1  }
0x15: {  	[smem:$0x3FB9] =	sst s0;
	s0 =	simm.s32 @!p2 $0x0  }
0x16: {  	s3 =	sld [smem:$0x3FDB];
	s0 =	simm.s32 @p2 $0x1  }
0x17: {  	s4 =	simm.s32 $0x1BF5;
	[smem:$0x3FBB] =	sst s0  }
0x18: {  	s0 =	sld [smem:$0x3F9E];
	_ =	swait.ge [sflag:s4], $0x0  }
0x19: {  	s7 =	sld [smem:$0x3F9F]  }
0x1a: {  	s8 =	sadd.s32 $0xFFFFE003, lr  }
0x1b: {  	s9 =	sadd.s32 $0xFFFFFEF7, lr;
	s5 =	simm.s32 $0xFFFFFFFF;
	p2 =	slt.u32 s8, $0xFFFFF086  }
0x1c: {  	p1 =	slt.u32 s9, $0xF7A;
	s5 =	simm.s32 @!p2 $0x0  }
0x1d: {  	s5 =	simm.s32 @p1 $0x1;
	p0 =	seq.s32 s7, s2  }
0x1e: {  	s7 =	smul.u32 @!p0 $0xF7A, s2;
	p2 =	seq.s32 @!p0 s5, $0x0  }
0x1f: {  	s9 =	smul.u32 $0xF7A, s1;
	s8 =	simm.s32 @!p0 $0x1BF5;
	p2 =	por !p2, p0  }
0x20: {  	[sflag:s8] =	ssyncset.s32 @!p0 $0xFFFFF086;
	s6 =	sadd.s32 @!p0 s3, s7;
	s7 =	simm.s32 @!p0 $0x108  }
0x21: {  	s3 =	sadd.s32 s3, s9;
	s6 =	sadd.s32 @!p0 $0x88, s6;
	s7 =	simm.s32 @p2 $0x1082  }
0x22: {  	[simem:s7], [sflag:s8] =	dma.local @!p0 [hbm:s6], $0xF7A  }
0x23: {  	s9 =	sor.u32 $0xD0000000, s2;
	s6 =	simm.s32 $0x108;
	_ =	swait.ge @!p0 [sflag:s8], $0x0  }
0x24: {  	s3 =	sadd.s32 $0x88, s3;
	s6 =	simm.s32 @!p1 $0x1082;
	[sflag:s4] =	ssyncset.s32 $0xFFFFF086  }
0x25: {  	[simem:s6], [sflag:s4] =	dma.local [hbm:s3], $0xF7A  }
0x26: {  	[smem:$0x3F9F] =	sst s1;
	(tag) =	ssettag s2;
	_ =	strace s9  }
0x27: {  	s1 =	sld [smem:$0x3FAF]  }
0x28: {  	s2 =	sld [smem:$0x3FB0]  }
0x29: {  	s4 =	sld [smem:$0x3FB2]  }
0x2a: {  	p0 =	seq.s32 s5, $0x0;
	s5 =	sld [smem:$0x3FB3]  }
0x2b: {  	s6 =	sld [smem:$0x3FB4]  }
0x2c: {  	s7 =	sld [smem:$0x3FB5]  }
0x2d: {  	s3 =	simm.s32 $0x108;
	s8 =	sld [smem:$0x3FB6]  }
0x2e: {  	s3 =	simm.s32 @!p0 $0x1082;
	s9 =	sld [smem:$0x3FB7]  }
0x2f: {  	lr =	sadd.s32 s0, s3;
	s0 =	sld [smem:$0x3FAE]  }
0x30: {  	s3 =	sld [smem:$0x3FB1]  }
0x31: {  	[smem:$0x3FBA] =	sst s10  }
0x32: {  	s10 =	sld [smem:$0x3FB8];
	_ =	sdelay $0x3  }
0x33: {  	p0 =	seq.s32 s10, $0x1;
	s10 =	sld [smem:$0x3FBA];
	_ =	sdelay $0x3  }
0x34: {  	[smem:$0x3FBA] =	sst s10  }
0x35: {  	s10 =	sld [smem:$0x3FB9];
	_ =	sdelay $0x3  }
0x36: {  	p1 =	seq.s32 s10, $0x1;
	s10 =	sld [smem:$0x3FBA];
	_ =	sdelay $0x3  }
0x37: {  	[smem:$0x3FBA] =	sst s10  }
0x38: {  	s10 =	sld [smem:$0x3FBB]  }
0x39: {  	_ = 	snop;
	(pc) =	sbr.ind lr, $3  }
0x3a: {  	_ = 	snop  }
0x3b: {  	_ = 	snop  }
0x3c: {  	p2 =	seq.s32 s10, $0x1;
	s10 =	sld [smem:$0x3FBA]  }
0x3d: {  	_ =	shalt  }
0x3e: {  	_ =	shalt  }
0x3f: {  	_ =	shalt  }
0x40: {  	_ =	shalt  }
0x41: {  	_ =	shalt  }
0x42: {  	_ =	shalt  }
0x43: {  	_ =	shalt  }
0x44: {  	_ =	shalt  }
0x45: {  	_ =	shalt  }
0x46: {  	_ =	shalt  }
0x47: {  	_ =	shalt  }
0x48: {  	_ =	shalt  }
0x49: {  	_ =	shalt  }
0x4a: {  	_ =	shalt  }
0x4b: {  	_ =	shalt  }
0x4c: {  	_ =	shalt  }
0x4d: {  	_ =	shalt  }
0x4e: {  	_ =	shalt  }
0x4f: {  	_ =	shalt  }
0x50: {  	_ =	shalt  }
0x51: {  	_ =	shalt  }
0x52: {  	_ =	shalt  }
0x53: {  	_ =	shalt  }
0x54: {  	_ =	shalt  }
0x55: {  	_ =	shalt  }
0x56: {  	_ =	shalt  }
0x57: {  	_ =	shalt  }
0x58: {  	_ =	shalt  }
0x59: {  	_ =	shalt  }
0x5a: {  	_ =	shalt  }
0x5b: {  	_ =	shalt  }
0x5c: {  	_ =	shalt  }
0x5d: {  	_ =	shalt  }
0x5e: {  	_ =	shalt  }
0x5f: {  	_ =	shalt  }
0x60: {  	_ =	shalt  }
0x61: {  	_ =	shalt  }
0x62: {  	_ =	shalt  }
0x63: {  	_ =	shalt  }
0x64: {  	_ =	shalt  }
0x65: {  	_ =	shalt  }
0x66: {  	_ =	shalt  }
0x67: {  	_ =	shalt  }
0x68: {  	_ =	shalt  }
0x69: {  	_ =	shalt  }
0x6a: {  	_ =	shalt  }
0x6b: {  	_ =	shalt  }
0x6c: {  	_ =	shalt  }
0x6d: {  	_ =	shalt  }
0x6e: {  	_ =	shalt  }
0x6f: {  	_ =	shalt  }
0x70: {  	_ =	shalt  }
0x71: {  	_ =	shalt  }
0x72: {  	_ =	shalt  }
0x73: {  	_ =	shalt  }
0x74: {  	_ =	shalt  }
0x75: {  	_ =	shalt  }
0x76: {  	_ =	shalt  }
0x77: {  	_ =	shalt  }
0x78: {  	_ =	shalt  }
0x79: {  	_ =	shalt  }
0x7a: {  	_ =	shalt  }
0x7b: {  	_ =	shalt  }
0x7c: {  	_ =	shalt  }
0x7d: {  	_ =	shalt  }
0x7e: {  	_ =	shalt  }
0x7f: {  	_ =	shalt  }
0x80: {  	_ =	shalt  }
0x81: {  	_ =	shalt  }
0x82: {  	_ =	shalt  }
0x83: {  	_ =	shalt  }
0x84: {  	_ =	shalt  }
0x85: {  	_ =	shalt  }
0x86: {  	_ =	shalt  }
0x87: {  	_ =	shalt  }
.Lfunc_end0:
.L_simem_size_0:
called_computation_lowered:
.L_overlay_start_0:
0x88: {  	s2 =	sld [smem:$0x3FD9]  }
0x89: {  	s3 =	sld [smem:$0x3FFE];
	_ =	sdelay $0x1  }
0x8a: {  	s1 =	srdreg.scid  }
0x8b: {  	s0 =	sand.u32 $0x1, s1  }
0x8c: {  	s15 =	sshll.u32 s0, $0xA;
	s2 =	sadd.s32 s3, s2  }
0x8d: {  	s2 =	sadd.s32 s2, s15  }
0x8e: {  	[smem:$0x3FC6] =	sst s2  }
0x8f: {  	_ = 	snop  }
0x90: {  	s2 =	sld [smem:$0x3FD0];
	_ =	sdelay $0x1  }
0x91: {  	s16 =	sld [smem:$0x3FC9]  }
0x92: {  	s5 =	simm.s32 $0xA;
	s6 =	simm.s32 $0x10;
	s4 =	sld [smem:$0x3FC8]  }
0x93: {  	[smem:s6], [sflag:s5] =	dma.local [hbm:s2], $0x1  }
0x94: {  	_ =	swait.eq [sflag:s5], $0x1  }
0x95: {  	[sflag:s5] =	ssyncset.done $0x0  }
0x96: {  	s17 =	sld [smem:$0x10];
	[sflag:s5] =	ssyncadd.s32 $0xFFFFFFFF  }
0x97: {  	s18 =	sld [smem:$0x11];
	(tm) =	ssettm $0x1  }
0x98: {  	s19 =	sld [smem:$0x3FFB];
	_ =	sdelay $0x3  }
0x99: {  	_ =	strace s19  }
0x9a: {  	s6 =	sld [smem:$0x3FFC];
	_ =	sdelay $0x3  }
0x9b: {  	_ =	strace s6  }
0x9c: {  	s6 =	sld [smem:$0x3FFD];
	_ =	sdelay $0x3  }
0x9d: {  	_ =	strace s6  }
0x9e: {  	_ =	strace $0x8FFFFFFF  }
0x9f: {  	s20 =	sld [smem:$0x3FDB];
	_ =	sdelay $0x1  }
0xa0: {  	s7 =	simm.s32 $_scs_section_size  }
0xa1: {  	s8 =	simm.s32 $_size__tile_overlayer_lowered;
	s9 =	simm.s32 $_tile_overlayer_lowered  }
0xa2: {  	s23 =	simm.s32 $0x1BFF;
	s22 =	sshll.u32 s9, $0x1;
	s6 =	sadd.s32 s7, s20  }
0xa3: {  	s10 =	simm.s32 $0x0;
	s21 =	sshll.u32 s8, $0x1;
	s8 =	sadd.s32 s22, s6  }
0xa4: {  	[timem:s10], [sflag:s23] =	dma.local [hbm:s8], s21  }
0xa5: {  	_ =	swait.ge [sflag:s23], s21  }
0xa6: {  	s7 =	ssub.s32 $0x0, s21;
	[sflag:s23] =	ssyncset.done $0x0  }
0xa7: {  	[sflag:s23] =	ssyncadd.s32 s7;
	_ =	sdelay $0x1  }
0xa8: {  	s24 =	simm.s32 $0x1B8B  }
0xa9: {  	_ =	swait.ge [sflag:s24], $0x1  }
0xaa: {  	[sflag:s24] =	ssyncset.done $0x0  }
0xab: {  	s25 =	simm.s32 $0x1B8E;
	[sflag:s24] =	ssyncadd.s32 $0xFFFFFFFF  }
0xac: {  	s26 =	simm.s32 $execute0_lowered;
	[smem:$0x3FD2] =	sst s25  }
0xad: {  	s7 =	sshll.u32 s26, $0x1;
	_ =	strace $0x80000046;
	[dreg:$0x1] =	wrdreg $0xFFFFFFFF  }
0xae: {  	s28 =	simm.s32 $_size_execute0_lowered;
	s6 =	sadd.s32 s6, s7;
	[dreg:$0x0] =	wrdreg $0x0  }
0xaf: {  	s7 =	sshll.u32 s28, $0x1;
	[dreg:$0x2] =	wrdreg s6  }
0xb0: {  	[dreg:$0x3] =	wrdreg s7  }
0xb1: {  	[dreg:$0x4] =	wrdreg $0xC0  }
0xb2: {  	_ =	task [dreg:s10], $0x5FFFF  }
0xb3: {  	[dreg:$0x1] =	wrdreg $0xFFFFFFFF  }
0xb4: {  	[dreg:$0x0] =	wrdreg $0x60  }
0xb5: {  	[dreg:$0x2] =	wrdreg s16  }
0xb6: {  	[dreg:$0x3] =	wrdreg s4  }
0xb7: {  	[dreg:$0x4] =	wrdreg s17  }
0xb8: {  	[dreg:$0x5] =	wrdreg s18  }
0xb9: {  	[dreg:$0x6] =	wrdreg $0x9  }
0xba: {  	_ =	task.clear_ibuf [dreg:s10], $0x7FFFF;
	_ =	strace $0x90000046  }
0xbb: {  	s29 =	simm.s32 $0x9;
	_ =	strace $0x80000048  }
0xbc: {  	_ =	swait.ge [sflag:s29], $0x1  }
0xbd: {  	[sflag:s29] =	ssyncadd.s32 $0xFFFFFFFF  }
0xbe: {  	_ =	strace $0x90000048  }
0xbf: {  	_ =	sfence  }
0xc0: {  	s30 =	sld [smem:$0x0];
	_ =	sdelay $0x2  }
0xc1: {  	s31 =	sshll.u32 s1, $0xD;
	s1 =	sshrl.u32 s1, $0x2  }
0xc2: {  	s3 =	sand.u32 $0x4000, s31;
	s1 =	sadd.s32 s1, s30  }
0xc3: {  	s0 =	sor.u32 s3, s0;
	s1 =	sshll.u32 s1, $0x11  }
0xc4: {  	s0 =	sor.u32 s1, s0  }
0xc5: {  	s0 =	sadd.s32 $0x8F2B, s0  }
0xc6: {  	[sflag:s0] =	ssyncadd.remote.s32 $0x1  }
0xc7: {  	_ =	sfence.sel $0xFFFF  }
0xc8: {  	[dreg:$0x0] =	wrdreg $0xFFFFFFFF;
	(pc) =	sbr.abs _section_cstart, $3  }
0xc9: {  	[dreg:$0x1] =	wrdreg $0xFFFFFFFF  }
0xca: {  	_ =	task.clear_ibuf [dreg:s10], $0x2FFFF;
	_ =	strace $0x9FFFFFFF  }
0xcb: {  	(tm) =	ssettm $0x7FFFFFFF  }
tec
execute0_lowered:
.L_overlay_start_1:
0x0: {  	(tag) =	ssettag $0x1  }
0x1: {  	s3 =	rddreg [dreg:$0x0]  }
0x2: {  	s6 =	rddreg [dreg:$0x1]  }
0x3: {  	s10 =	rddreg [dreg:$0x2]  }
0x4: {  	s12 =	rddreg [dreg:$0x3]  }
0x5: {  	s2 =	srdreg.scid;
	s0 =	rddreg [dreg:$0x4]  }
0x6: {  	s1 =	stileid.u32;
	s13 =	sand.u32 $0x1, s2;
	s2 =	simm.s32 $0x0  }
0x7: {  	s5 =	sshll.u32 s1, $0x9;
	s4 =	sshll.u32 s13, $0xD;
	[smem:$0x7FF] =	sst s2  }
0x8: {  	s11 =	sor.u32 s5, s4;
	_ =	strace $0x80000047;
	s4 =	simm.s32 $0x1000  }
0x9: {  	s5 =	simm.s32 $0x7A1400;
	s3 =	sadd.s32 s3, s11;
	s14 =	sshrl.u32 s11, $0x3  }
0xa: {  	[tilespmem:s2], [sflag:$0x1] =	stream.strided.gather [hbm4b:s3+s4], $0x8000, s5, s4, $0x38;
	[tilespmem:$0x8200] =	vst v63  }
0xb: {  	s7 =	simm.s32 $0x8000;
	s8 =	simm.s32 $0x1;
	s6 =	sadd.s32 s6, s14  }
0xc: {  	[tilespmem:s7], [sflag:$0x2] =	stream.linear.gather [hbm4b:s6+s2], $0x200, $0x38;
	[tilespmem:$0x8200] =	vst v63  }
0xd: {  	_ =	swait.ge [sflag:s8], $0x8000  }
0xe: {  	[sflag:s8] =	ssyncset.done $0x0  }
0xf: {  	s9 =	simm.s32 $0x2;
	s13 =	ssub.s32 $0x2, s13;
	[sflag:s8] =	ssyncadd.s32 $0xFFFF8000  }
0x10: {  	s31 =	sshrl.u32 s13, $0x1;
	_ =	swait.ge [sflag:s9], $0x200  }
0x11: {  	s10 =	sadd.s32 s10, s11;
	s13 =	ssub.s32 s13, s31;
	[sflag:s9] =	ssyncset.done $0x0  }
0x12: {  	s11 =	simm.s32 $0x20000;
	s13 =	smax.u32 s13, $0x1;
	[sflag:s9] =	ssyncadd.s32 $0xFFFFFE00  }
0x13: {  	[hbm4b:s10+s4] =	stream.strided.scatter [tilespmem:s2], [sflag:$0x1], $0x8000, s11, s4, $0x38;
	[tilespmem:$0x8200] =	vst v63  }
0x14: {  	s12 =	sadd.s32 s12, s14;
	p0 =	sne.s32 s13, $0x1  }
0x15: {  	[hbm4b:s12+s2] =	stream.linear.scatter [tilespmem:s7], [sflag:$0x2], $0x200, $0x38;
	[tilespmem:$0x8200] =	vst v63  }
.Ltmp0:
0x16: {  	_ =	swait.ge [sflag:s8], $0x8000;
	(pc) =	sbr.rel @!p0 .LBB2_2-.Ltmp0, $4  }
0x17: {  	[sflag:s8] =	ssyncset.done $0x0  }
0x18: {  	[sflag:s8] =	ssyncadd.s32 $0xFFFF8000  }
0x19: {  	_ =	swait.ge [sflag:s9], $0x200  }
0x1a: {  	s13 =	sadd.s32 $0xFFFFFFFF, s13;
	[sflag:s9] =	ssyncset.done $0x0  }
.LBB2_1:
0x1b: {  	p0 =	sne.s32 s13, $0x1;
	s13 =	sadd.s32 $0xFFFFFFFF, s13;
	[sflag:s9] =	ssyncadd.s32 $0xFFFFFE00  }
0x1c: {  	[tilespmem:s2], [sflag:$0x1] =	stream.strided.gather [hbm4b:s3+s4], $0x8000, s5, s4, $0x38;
	[tilespmem:$0x8200] =	vst v63  }
0x1d: {  	_ = 	snop  }
0x1e: {  	[tilespmem:s7], [sflag:$0x2] =	stream.linear.gather [hbm4b:s6+s2], $0x200, $0x38;
	[tilespmem:$0x8200] =	vst v63  }
0x1f: {  	_ =	swait.ge [sflag:s8], $0x8000  }
0x20: {  	[sflag:s8] =	ssyncset.done $0x0  }
0x21: {  	[sflag:s8] =	ssyncadd.s32 $0xFFFF8000  }
0x22: {  	_ =	swait.ge [sflag:s9], $0x200  }
0x23: {  	[sflag:s9] =	ssyncset.done $0x0  }
0x24: {  	[sflag:s9] =	ssyncadd.s32 $0xFFFFFE00  }
0x25: {  	[hbm4b:s10+s4] =	stream.strided.scatter [tilespmem:s2], [sflag:$0x1], $0x8000, s11, s4, $0x38;
	[tilespmem:$0x8200] =	vst v63  }
0x26: {  	_ = 	snop  }
0x27: {  	[hbm4b:s12+s2] =	stream.linear.scatter [tilespmem:s7], [sflag:$0x2], $0x200, $0x38;
	[tilespmem:$0x8200] =	vst v63  }
.Ltmp1:
0x28: {  	_ =	swait.ge [sflag:s8], $0x8000;
	(pc) =	sbr.rel @p0 .LBB2_1-.Ltmp1, $4  }
0x29: {  	[sflag:s8] =	ssyncset.done $0x0  }
0x2a: {  	[sflag:s8] =	ssyncadd.s32 $0xFFFF8000  }
0x2b: {  	_ =	swait.ge [sflag:s9], $0x200  }
0x2c: {  	[sflag:s9] =	ssyncset.done $0x0  }
.LBB2_2:
0x2d: {  	[sflag:s9] =	ssyncadd.s32 $0xFFFFFE00  }
0x2e: {  	_ =	sfence.sel $0x180000  }
0x2f: {  	[bflag:$0x0] =	sbarrier.arrive $0xFFFF  }
0x30: {  	p0 =	sne.s32 s1, $0x0;
	_ =	strace $0x90000047  }
0x31: {  	s0 =	sadd.s32 @!p0 $0x100000, s0;
	[bflag:$0x2] =	sbarrier.arrive $0xFFFF  }
0x32: {  	[sflag:s0] =	ssyncadd.tile.s32 @!p0 $0x1;
	_ =	shalt  }
.Lfunc_end2:
_tile_overlayer_lowered:
.L_overlay_start_2:
0x33: {  	(tag) =	ssettag $0x2  }
0x34: {  	s0 =	rddreg [dreg:$0x0];
	s2 =	stileid.u32  }
0x35: {  	s1 =	rddreg [dreg:$0x1];
	p0 =	sne.s32 s2, $0x0  }
0x36: {  	s3 =	rddreg [dreg:$0x2];
	[bflag:$0x3] =	sbarrier.arrive $0xFFFF;
	s2 =	simm.s32 @!p0 $0x1C03  }
0x37: {  	[timem:s3], [sflag:s2] =	dma.local @!p0 [hbm:s0], s1  }
0x38: {  	s0 =	simm.s32 @!p0 $0x3  }
0x39: {  	_ =	swait.ge @!p0 [sflag:s0], s1  }
0x3a: {  	s1 =	ssub.s32 @!p0 $0x0, s1;
	[sflag:s0] =	ssyncset.done @!p0 $0x0  }
0x3b: {  	[sflag:s0] =	ssyncadd.s32 @!p0 s1  }
0x3c: {  	[bflag:$0x3] =	sbarrier.arrive $0xFFFF  }
0x3d: {  	_ =	shalt  }

</sc_bundles>
